<compile_context>
chip_gen: v7x
topology: tpu7x:2x2x1
jax: 0.10.2.dev20260603
libtpu: 0.0.44.dev20260713+nightly
codegen_flags: <defaults>
</compile_context>

<pallas_src>
import jax
import jax.numpy as jnp
from jax import lax
from jax.experimental import pallas as pl
from jax.experimental.pallas import tpu as pltpu
from jax.experimental.pallas import tpu_sc as plsc

B, L, V, D = 16384, 26, 100000, 64
IN_DIM = L * D
T = L // 2
S = T * B

_info = plsc.get_sparse_core_info()
NC, NS = _info.num_cores, _info.num_subcores
NW = NC * NS
PER_W = S // NW
CHUNK = 416
N2 = PER_W // (2 * CHUNK)


def _sc_gather_body(
    table_hbm, ga_hbm, gb_hbm, out_hbm,
    ia_v, ib_v, ra0_v, rb0_v, ra1_v, rb1_v, sem0, sem1,
):
    wid = lax.axis_index("s") * NC + lax.axis_index("c")
    base = wid * PER_W

    pltpu.sync_copy(ga_hbm.at[pl.ds(base, PER_W)], ia_v)
    pltpu.sync_copy(gb_hbm.at[pl.ds(base, PER_W)], ib_v)

    def start(c, ra, rb, sem):
        off = c * CHUNK
        pltpu.async_copy(table_hbm.at[ia_v.at[pl.ds(off, CHUNK)]], ra, sem)
        pltpu.async_copy(table_hbm.at[ib_v.at[pl.ds(off, CHUNK)]], rb, sem)

    def drain(c, ra, rb, sem):
        pltpu.make_async_copy(table_hbm.at[ia_v.at[pl.ds(0, CHUNK)]], ra, sem).wait()
        pltpu.make_async_copy(table_hbm.at[ib_v.at[pl.ds(0, CHUNK)]], rb, sem).wait()
        row = base + c * CHUNK
        pltpu.sync_copy(ra, out_hbm.at[pl.ds(row, CHUNK), pl.ds(0, D)])
        pltpu.sync_copy(rb, out_hbm.at[pl.ds(row, CHUNK), pl.ds(D, D)])

    start(0, ra0_v, rb0_v, sem0)

    def step(i2, _):
        start(2 * i2 + 1, ra1_v, rb1_v, sem1)
        drain(2 * i2, ra0_v, rb0_v, sem0)

        @pl.when(i2 < N2 - 1)
        def _():
            start(2 * i2 + 2, ra0_v, rb0_v, sem0)

        drain(2 * i2 + 1, ra1_v, rb1_v, sem1)
        return _

    lax.fori_loop(0, N2, step, None)


def _sc_gather(table, ga, gb):
    return pl.kernel(
        _sc_gather_body,
        out_type=jax.ShapeDtypeStruct((S, 2 * D), jnp.float32),
        mesh=plsc.VectorSubcoreMesh(core_axis_name="c", subcore_axis_name="s"),
        scratch_types=[
            pltpu.VMEM((PER_W,), jnp.int32),
            pltpu.VMEM((PER_W,), jnp.int32),
            pltpu.VMEM((CHUNK, D), jnp.float32),
            pltpu.VMEM((CHUNK, D), jnp.float32),
            pltpu.VMEM((CHUNK, D), jnp.float32),
            pltpu.VMEM((CHUNK, D), jnp.float32),
            pltpu.SemaphoreType.DMA,
            pltpu.SemaphoreType.DMA,
        ],
        compiler_params=pltpu.CompilerParams(use_tc_tiling_on_sc=False),
    )(table, ga, gb)


R_BLK = 2048


def _mlp_body(x_ref, w1_ref, b1_ref, w2_ref, b2_ref, w3_ref, b3_ref, o_ref):
    h = jnp.dot(x_ref[0], w1_ref[0], preferred_element_type=jnp.float32)
    for t in range(1, T):
        h += jnp.dot(x_ref[t], w1_ref[t], preferred_element_type=jnp.float32)
    h = jnp.maximum(h + b1_ref[...], 0.0)
    h = jnp.dot(h, w2_ref[...], preferred_element_type=jnp.float32)
    h = jnp.maximum(h + b2_ref[...], 0.0)
    o_ref[...] = (
        jnp.dot(h, w3_ref[...], preferred_element_type=jnp.float32) + b3_ref[...]
    )


def _tc_mlp(x3, W1p, b1, W2, b2, W3, b3):
    grid = (B // R_BLK,)
    return pl.pallas_call(
        _mlp_body,
        grid=grid,
        in_specs=[
            pl.BlockSpec((T, R_BLK, 2 * D), lambda i: (0, i, 0)),
            pl.BlockSpec((T, 2 * D, 64), lambda i: (0, 0, 0)),
            pl.BlockSpec((1, 64), lambda i: (0, 0)),
            pl.BlockSpec((64, 32), lambda i: (0, 0)),
            pl.BlockSpec((1, 32), lambda i: (0, 0)),
            pl.BlockSpec((32, 1), lambda i: (0, 0)),
            pl.BlockSpec((1, 1), lambda i: (0, 0)),
        ],
        out_specs=pl.BlockSpec((R_BLK, 1), lambda i: (i, 0)),
        out_shape=jax.ShapeDtypeStruct((B, 1), jnp.float32),
    )(x3, W1p, b1.reshape(1, 64), W2, b2.reshape(1, 32), W3, b3.reshape(1, 1))


def kernel(genome_indices_batch, table, W1, b1, W2, b2, W3, b3):
    idx = genome_indices_batch.astype(jnp.int32)
    ga = idx[:, 0::2].T.reshape(-1)
    gb = idx[:, 1::2].T.reshape(-1)
    flat = _sc_gather(table, ga, gb)
    x3 = flat.reshape(T, B, 2 * D)
    return _tc_mlp(x3, W1.reshape(T, 2 * D, 64), b1, W2, b2, W3, b3)

# --- scband reference (transcript-rebuilt; emitter-appended) ---
"""Pipeline reference for scband-fitness-predictor-1262720385759 (READ-ONLY COPY).

The authoritative reference and input builder live on the scoring server;
editing this copy changes nothing except your own understanding.
"""

import jax, jax.numpy as jnp
import numpy as np

B, L, V, D = 16384, 26, 100000, 64
IN_DIM = L * D

def setup_inputs(seed: int = 0) -> dict:
    key = jax.random.key(seed)
    ks = jax.random.split(key, 8)
    genome_indices_batch = jax.random.randint(ks[0], (B, L), 0, V)
    table = jax.random.normal(ks[1], (V, D), dtype=jnp.float32) * 0.02
    W1 = jax.random.normal(ks[2], (IN_DIM, 64), dtype=jnp.float32) * (1.0 / np.sqrt(IN_DIM))
    b1 = jnp.zeros((64,), dtype=jnp.float32)
    W2 = jax.random.normal(ks[3], (64, 32), dtype=jnp.float32) * (1.0 / np.sqrt(64))
    b2 = jnp.zeros((32,), dtype=jnp.float32)
    W3 = jax.random.normal(ks[4], (32, 1), dtype=jnp.float32) * (1.0 / np.sqrt(32))
    b3 = jnp.zeros((1,), dtype=jnp.float32)
    return {"genome_indices_batch": genome_indices_batch, "table": table,
            "W1": W1, "b1": b1, "W2": W2, "b2": b2, "W3": W3, "b3": b3}

def reference(genome_indices_batch, table, W1, b1, W2, b2, W3, b3):
    # nn.Embedding lookup -> gather rows of table
    embeds = jnp.take(table, genome_indices_batch, axis=0)  # [B, L, D]
    flat = embeds.reshape(embeds.shape[0], -1)              # [B, L*D]
    h = jax.nn.relu(flat @ W1 + b1)
    h = jax.nn.relu(h @ W2 + b2)
    out = h @ W3 + b3                                       # [B, 1]
    return out

if __name__ == "__main__":
    import jax
    _d = setup_inputs()
    print(jax.jit(kernel)(*tuple(_d.values())))

</pallas_src>

<mosaic_0001>
#map = affine_map<(d0, d1) -> (0, 0)>
#map1 = affine_map<(d0, d1) -> (0)>
module attributes {stable_mosaic.version = 14 : i64} {
  func.func @_sc_gather_body(%arg0: i32, %arg1: i32, %arg2: memref<100000x64xf32, #tpu.memory_space<hbm>>, %arg3: memref<212992xi32, #tpu.memory_space<hbm>>, %arg4: memref<212992xi32, #tpu.memory_space<hbm>>, %arg5: memref<212992x128xf32, #tpu.memory_space<hbm>>, %arg6: memref<6656xi32, #tpu.memory_space<vmem>>, %arg7: memref<6656xi32, #tpu.memory_space<vmem>>, %arg8: memref<416x64xf32, #tpu.memory_space<vmem>>, %arg9: memref<416x64xf32, #tpu.memory_space<vmem>>, %arg10: memref<416x64xf32, #tpu.memory_space<vmem>>, %arg11: memref<416x64xf32, #tpu.memory_space<vmem>>, %arg12: memref<!tpu.dma_semaphore, #tpu.memory_space<semaphore_mem>>, %arg13: memref<!tpu.dma_semaphore, #tpu.memory_space<semaphore_mem>>) attributes {dimension_semantics = [#tpu.dimension_semantics<core_parallel>, #tpu.dimension_semantics<subcore_parallel>], iteration_bounds = array<i64: 2, 16>, scalar_prefetch = 0 : i64, scratch_operands = 8 : i64, tpu.core_type = #tpu.core_type<sc_vector_subcore>, window_params = [{transform_indices = #map}, {transform_indices = #map1}, {transform_indices = #map1}, {transform_indices = #map}]} {
    %mul3A = arith.constant 2 : i32
    %mul3A_0 = arith.muli %arg1, %mul3A : i32
    %add3A = arith.addi %mul3A_0, %arg0 : i32
    %mul3A_1 = arith.constant 6656 : i32
    %mul3A_2 = arith.muli %add3A, %mul3A_1 : i32
    "tpu.region"() ({
      %run_scoped3A = tpu.sem_alloc : memref<!tpu.dma_semaphore, #tpu.memory_space<semaphore_mem>>
      %dma_start3A_16 = tpu.memref_slice %arg3[%mul3A_2] : memref<212992xi32, #tpu.memory_space<hbm>> -> memref<6656xi32, #tpu.memory_space<hbm>>
      %dma_start3A_17 = tpu.memref_slice %arg3[%mul3A_2] : memref<212992xi32, #tpu.memory_space<hbm>> -> memref<6656xi32, #tpu.memory_space<hbm>>
      tpu.enqueue_dma source(%dma_start3A_17 : memref<6656xi32, #tpu.memory_space<hbm>>) target(%arg6 : memref<6656xi32, #tpu.memory_space<vmem>>) target_semaphore(%run_scoped3A : memref<!tpu.dma_semaphore, #tpu.memory_space<semaphore_mem>>)
      %dma_wait3A = tpu.memref_slice %arg3[%mul3A_2] : memref<212992xi32, #tpu.memory_space<hbm>> -> memref<6656xi32, #tpu.memory_space<hbm>>
      %dma_wait3A_18 = tpu.memref_slice %arg3[%mul3A_2] : memref<212992xi32, #tpu.memory_space<hbm>> -> memref<6656xi32, #tpu.memory_space<hbm>>
      tpu.wait_dma2 semaphore(%run_scoped3A : memref<!tpu.dma_semaphore, #tpu.memory_space<semaphore_mem>>) src(%dma_wait3A_18 : memref<6656xi32, #tpu.memory_space<hbm>>) dst(%arg6 : memref<6656xi32, #tpu.memory_space<vmem>>)
      tpu.yield
    }) : () -> ()
    "tpu.region"() ({
      %run_scoped3A = tpu.sem_alloc : memref<!tpu.dma_semaphore, #tpu.memory_space<semaphore_mem>>
      %dma_start3A_16 = tpu.memref_slice %arg4[%mul3A_2] : memref<212992xi32, #tpu.memory_space<hbm>> -> memref<6656xi32, #tpu.memory_space<hbm>>
      %dma_start3A_17 = tpu.memref_slice %arg4[%mul3A_2] : memref<212992xi32, #tpu.memory_space<hbm>> -> memref<6656xi32, #tpu.memory_space<hbm>>
      tpu.enqueue_dma source(%dma_start3A_17 : memref<6656xi32, #tpu.memory_space<hbm>>) target(%arg7 : memref<6656xi32, #tpu.memory_space<vmem>>) target_semaphore(%run_scoped3A : memref<!tpu.dma_semaphore, #tpu.memory_space<semaphore_mem>>)
      %dma_wait3A = tpu.memref_slice %arg4[%mul3A_2] : memref<212992xi32, #tpu.memory_space<hbm>> -> memref<6656xi32, #tpu.memory_space<hbm>>
      %dma_wait3A_18 = tpu.memref_slice %arg4[%mul3A_2] : memref<212992xi32, #tpu.memory_space<hbm>> -> memref<6656xi32, #tpu.memory_space<hbm>>
      tpu.wait_dma2 semaphore(%run_scoped3A : memref<!tpu.dma_semaphore, #tpu.memory_space<semaphore_mem>>) src(%dma_wait3A_18 : memref<6656xi32, #tpu.memory_space<hbm>>) dst(%arg7 : memref<6656xi32, #tpu.memory_space<vmem>>)
      tpu.yield
    }) : () -> ()
    %dma_start3A = arith.constant 0 : i32
    %dma_start3A_3 = tpu.memref_slice %arg6[%dma_start3A] : memref<6656xi32, #tpu.memory_space<vmem>> -> memref<416xi32, #tpu.memory_space<vmem>>
    %dma_start3A_4 = arith.constant 0 : i32
    %dma_start3A_5 = arith.constant 0 : i32
    %dma_start3A_6 = tpu.memref_slice %arg2[%dma_start3A_4, %dma_start3A_5] : memref<100000x64xf32, #tpu.memory_space<hbm>> -> memref<100000x64xf32, #tpu.memory_space<hbm>>
    tpu.enqueue_indirect_dma source(%dma_start3A_6 : memref<100000x64xf32, #tpu.memory_space<hbm>>) target(%arg8 : memref<416x64xf32, #tpu.memory_space<vmem>>) offsets(%dma_start3A_3 : memref<416xi32, #tpu.memory_space<vmem>>) semaphore(%arg12 : memref<!tpu.dma_semaphore, #tpu.memory_space<semaphore_mem>>)
    %dma_start3A_7 = arith.constant 0 : i32
    %dma_start3A_8 = tpu.memref_slice %arg7[%dma_start3A_7] : memref<6656xi32, #tpu.memory_space<vmem>> -> memref<416xi32, #tpu.memory_space<vmem>>
    %dma_start3A_9 = arith.constant 0 : i32
    %dma_start3A_10 = arith.constant 0 : i32
    %dma_start3A_11 = tpu.memref_slice %arg2[%dma_start3A_9, %dma_start3A_10] : memref<100000x64xf32, #tpu.memory_space<hbm>> -> memref<100000x64xf32, #tpu.memory_space<hbm>>
    tpu.enqueue_indirect_dma source(%dma_start3A_11 : memref<100000x64xf32, #tpu.memory_space<hbm>>) target(%arg9 : memref<416x64xf32, #tpu.memory_space<vmem>>) offsets(%dma_start3A_8 : memref<416xi32, #tpu.memory_space<vmem>>) semaphore(%arg12 : memref<!tpu.dma_semaphore, #tpu.memory_space<semaphore_mem>>)
    %scan3A = arith.constant 0 : i32
    %scan3A_12 = arith.constant 8 : i32
    %scan3A_13 = arith.addi %scan3A, %scan3A_12 : i32
    %scan3A_14 = arith.constant 1 : i32
    scf.for %scan3A_16 = %scan3A to %scan3A_13 step %scan3A_14  : i32 {
      %mul3A_17 = arith.constant 2 : i32
      %mul3A_18 = arith.muli %mul3A_17, %scan3A_16 : i32
      %add3A_19 = arith.constant 1 : i32
      %add3A_20 = arith.addi %mul3A_18, %add3A_19 : i32
      %mul3A_21 = arith.constant 416 : i32
      %mul3A_22 = arith.muli %add3A_20, %mul3A_21 : i32
      %dma_start3A_23 = tpu.memref_slice %arg6[%mul3A_22] : memref<6656xi32, #tpu.memory_space<vmem>> -> memref<416xi32, #tpu.memory_space<vmem>>
      %dma_start3A_24 = arith.constant 0 : i32
      %dma_start3A_25 = arith.constant 0 : i32
      %dma_start3A_26 = tpu.memref_slice %arg2[%dma_start3A_24, %dma_start3A_25] : memref<100000x64xf32, #tpu.memory_space<hbm>> -> memref<100000x64xf32, #tpu.memory_space<hbm>>
      tpu.enqueue_indirect_dma source(%dma_start3A_26 : memref<100000x64xf32, #tpu.memory_space<hbm>>) target(%arg10 : memref<416x64xf32, #tpu.memory_space<vmem>>) offsets(%dma_start3A_23 : memref<416xi32, #tpu.memory_space<vmem>>) semaphore(%arg13 : memref<!tpu.dma_semaphore, #tpu.memory_space<semaphore_mem>>)
      %dma_start3A_27 = tpu.memref_slice %arg7[%mul3A_22] : memref<6656xi32, #tpu.memory_space<vmem>> -> memref<416xi32, #tpu.memory_space<vmem>>
      %dma_start3A_28 = arith.constant 0 : i32
      %dma_start3A_29 = arith.constant 0 : i32
      %dma_start3A_30 = tpu.memref_slice %arg2[%dma_start3A_28, %dma_start3A_29] : memref<100000x64xf32, #tpu.memory_space<hbm>> -> memref<100000x64xf32, #tpu.memory_space<hbm>>
      tpu.enqueue_indirect_dma source(%dma_start3A_30 : memref<100000x64xf32, #tpu.memory_space<hbm>>) target(%arg11 : memref<416x64xf32, #tpu.memory_space<vmem>>) offsets(%dma_start3A_27 : memref<416xi32, #tpu.memory_space<vmem>>) semaphore(%arg13 : memref<!tpu.dma_semaphore, #tpu.memory_space<semaphore_mem>>)
      %mul3A_31 = arith.constant 2 : i32
      %mul3A_32 = arith.muli %mul3A_31, %scan3A_16 : i32
      %dma_wait3A = arith.constant 0 : i32
      %dma_wait3A_33 = tpu.memref_slice %arg6[%dma_wait3A] : memref<6656xi32, #tpu.memory_space<vmem>> -> memref<416xi32, #tpu.memory_space<vmem>>
      %dma_wait3A_34 = arith.constant 0 : i32
      %dma_wait3A_35 = arith.constant 0 : i32
      %dma_wait3A_36 = tpu.memref_slice %arg2[%dma_wait3A_34, %dma_wait3A_35] : memref<100000x64xf32, #tpu.memory_space<hbm>> -> memref<100000x64xf32, #tpu.memory_space<hbm>>
      tpu.wait_indirect_dma semaphore(%arg12 : memref<!tpu.dma_semaphore, #tpu.memory_space<semaphore_mem>>) src(%dma_wait3A_36 : memref<100000x64xf32, #tpu.memory_space<hbm>>) dst(%arg8 : memref<416x64xf32, #tpu.memory_space<vmem>>)
      %dma_wait3A_37 = arith.constant 0 : i32
      %dma_wait3A_38 = tpu.memref_slice %arg7[%dma_wait3A_37] : memref<6656xi32, #tpu.memory_space<vmem>> -> memref<416xi32, #tpu.memory_space<vmem>>
      %dma_wait3A_39 = arith.constant 0 : i32
      %dma_wait3A_40 = arith.constant 0 : i32
      %dma_wait3A_41 = tpu.memref_slice %arg2[%dma_wait3A_39, %dma_wait3A_40] : memref<100000x64xf32, #tpu.memory_space<hbm>> -> memref<100000x64xf32, #tpu.memory_space<hbm>>
      tpu.wait_indirect_dma semaphore(%arg12 : memref<!tpu.dma_semaphore, #tpu.memory_space<semaphore_mem>>) src(%dma_wait3A_41 : memref<100000x64xf32, #tpu.memory_space<hbm>>) dst(%arg9 : memref<416x64xf32, #tpu.memory_space<vmem>>)
      %mul3A_42 = arith.constant 416 : i32
      %mul3A_43 = arith.muli %mul3A_32, %mul3A_42 : i32
      %add3A_44 = arith.addi %mul3A_2, %mul3A_43 : i32
      "tpu.region"() ({
        %run_scoped3A = tpu.sem_alloc : memref<!tpu.dma_semaphore, #tpu.memory_space<semaphore_mem>>
        %dma_start3A_64 = arith.constant 0 : i32
        %dma_start3A_65 = tpu.memref_slice %arg5[%add3A_44, %dma_start3A_64] : memref<212992x128xf32, #tpu.memory_space<hbm>> -> memref<416x64xf32, #tpu.memory_space<hbm>>
        %dma_start3A_66 = arith.constant 0 : i32
        %dma_start3A_67 = tpu.memref_slice %arg5[%add3A_44, %dma_start3A_66] : memref<212992x128xf32, #tpu.memory_space<hbm>> -> memref<416x64xf32, #tpu.memory_space<hbm>>
        tpu.enqueue_dma source(%arg8 : memref<416x64xf32, #tpu.memory_space<vmem>>) target(%dma_start3A_67 : memref<416x64xf32, #tpu.memory_space<hbm>>) target_semaphore(%run_scoped3A : memref<!tpu.dma_semaphore, #tpu.memory_space<semaphore_mem>>)
        %dma_wait3A_68 = arith.constant 0 : i32
        %dma_wait3A_69 = tpu.memref_slice %arg5[%add3A_44, %dma_wait3A_68] : memref<212992x128xf32, #tpu.memory_space<hbm>> -> memref<416x64xf32, #tpu.memory_space<hbm>>
        %dma_wait3A_70 = arith.constant 0 : i32
        %dma_wait3A_71 = tpu.memref_slice %arg5[%add3A_44, %dma_wait3A_70] : memref<212992x128xf32, #tpu.memory_space<hbm>> -> memref<416x64xf32, #tpu.memory_space<hbm>>
        tpu.wait_dma2 semaphore(%run_scoped3A : memref<!tpu.dma_semaphore, #tpu.memory_space<semaphore_mem>>) src(%arg8 : memref<416x64xf32, #tpu.memory_space<vmem>>) dst(%dma_wait3A_71 : memref<416x64xf32, #tpu.memory_space<hbm>>)
        tpu.yield
      }) : () -> ()
      "tpu.region"() ({
        %run_scoped3A = tpu.sem_alloc : memref<!tpu.dma_semaphore, #tpu.memory_space<semaphore_mem>>
        %dma_start3A_64 = arith.constant 64 : i32
        %dma_start3A_65 = tpu.memref_slice %arg5[%add3A_44, %dma_start3A_64] : memref<212992x128xf32, #tpu.memory_space<hbm>> -> memref<416x64xf32, #tpu.memory_space<hbm>>
        %dma_start3A_66 = arith.constant 64 : i32
        %dma_start3A_67 = tpu.memref_slice %arg5[%add3A_44, %dma_start3A_66] : memref<212992x128xf32, #tpu.memory_space<hbm>> -> memref<416x64xf32, #tpu.memory_space<hbm>>
        tpu.enqueue_dma source(%arg9 : memref<416x64xf32, #tpu.memory_space<vmem>>) target(%dma_start3A_67 : memref<416x64xf32, #tpu.memory_space<hbm>>) target_semaphore(%run_scoped3A : memref<!tpu.dma_semaphore, #tpu.memory_space<semaphore_mem>>)
        %dma_wait3A_68 = arith.constant 64 : i32
        %dma_wait3A_69 = tpu.memref_slice %arg5[%add3A_44, %dma_wait3A_68] : memref<212992x128xf32, #tpu.memory_space<hbm>> -> memref<416x64xf32, #tpu.memory_space<hbm>>
        %dma_wait3A_70 = arith.constant 64 : i32
        %dma_wait3A_71 = tpu.memref_slice %arg5[%add3A_44, %dma_wait3A_70] : memref<212992x128xf32, #tpu.memory_space<hbm>> -> memref<416x64xf32, #tpu.memory_space<hbm>>
        tpu.wait_dma2 semaphore(%run_scoped3A : memref<!tpu.dma_semaphore, #tpu.memory_space<semaphore_mem>>) src(%arg9 : memref<416x64xf32, #tpu.memory_space<vmem>>) dst(%dma_wait3A_71 : memref<416x64xf32, #tpu.memory_space<hbm>>)
        tpu.yield
      }) : () -> ()
      %lt3A = arith.constant 7 : i32
      %lt3A_45 = arith.cmpi slt, %scan3A_16, %lt3A : i32
      %convert_element_type3A = arith.extui %lt3A_45 : i1 to i32
      %cond3A = arith.constant 0 : i32
      %cond3A_46 = arith.cmpi ne, %convert_element_type3A, %cond3A : i32
      scf.if %cond3A_46 {
        %mul3A_64 = arith.constant 2 : i32
        %mul3A_65 = arith.muli %mul3A_64, %scan3A_16 : i32
        %add3A_66 = arith.constant 2 : i32
        %add3A_67 = arith.addi %mul3A_65, %add3A_66 : i32
        %mul3A_68 = arith.constant 416 : i32
        %mul3A_69 = arith.muli %add3A_67, %mul3A_68 : i32
        %dma_start3A_70 = tpu.memref_slice %arg6[%mul3A_69] : memref<6656xi32, #tpu.memory_space<vmem>> -> memref<416xi32, #tpu.memory_space<vmem>>
        %dma_start3A_71 = arith.constant 0 : i32
        %dma_start3A_72 = arith.constant 0 : i32
        %dma_start3A_73 = tpu.memref_slice %arg2[%dma_start3A_71, %dma_start3A_72] : memref<100000x64xf32, #tpu.memory_space<hbm>> -> memref<100000x64xf32, #tpu.memory_space<hbm>>
        tpu.enqueue_indirect_dma source(%dma_start3A_73 : memref<100000x64xf32, #tpu.memory_space<hbm>>) target(%arg8 : memref<416x64xf32, #tpu.memory_space<vmem>>) offsets(%dma_start3A_70 : memref<416xi32, #tpu.memory_space<vmem>>) semaphore(%arg12 : memref<!tpu.dma_semaphore, #tpu.memory_space<semaphore_mem>>)
        %dma_start3A_74 = tpu.memref_slice %arg7[%mul3A_69] : memref<6656xi32, #tpu.memory_space<vmem>> -> memref<416xi32, #tpu.memory_space<vmem>>
        %dma_start3A_75 = arith.constant 0 : i32
        %dma_start3A_76 = arith.constant 0 : i32
        %dma_start3A_77 = tpu.memref_slice %arg2[%dma_start3A_75, %dma_start3A_76] : memref<100000x64xf32, #tpu.memory_space<hbm>> -> memref<100000x64xf32, #tpu.memory_space<hbm>>
        tpu.enqueue_indirect_dma source(%dma_start3A_77 : memref<100000x64xf32, #tpu.memory_space<hbm>>) target(%arg9 : memref<416x64xf32, #tpu.memory_space<vmem>>) offsets(%dma_start3A_74 : memref<416xi32, #tpu.memory_space<vmem>>) semaphore(%arg12 : memref<!tpu.dma_semaphore, #tpu.memory_space<semaphore_mem>>)
      } else {
      }
      %mul3A_47 = arith.constant 2 : i32
      %mul3A_48 = arith.muli %mul3A_47, %scan3A_16 : i32
      %add3A_49 = arith.constant 1 : i32
      %add3A_50 = arith.addi %mul3A_48, %add3A_49 : i32
      %dma_wait3A_51 = arith.constant 0 : i32
      %dma_wait3A_52 = tpu.memref_slice %arg6[%dma_wait3A_51] : memref<6656xi32, #tpu.memory_space<vmem>> -> memref<416xi32, #tpu.memory_space<vmem>>
      %dma_wait3A_53 = arith.constant 0 : i32
      %dma_wait3A_54 = arith.constant 0 : i32
      %dma_wait3A_55 = tpu.memref_slice %arg2[%dma_wait3A_53, %dma_wait3A_54] : memref<100000x64xf32, #tpu.memory_space<hbm>> -> memref<100000x64xf32, #tpu.memory_space<hbm>>
      tpu.wait_indirect_dma semaphore(%arg13 : memref<!tpu.dma_semaphore, #tpu.memory_space<semaphore_mem>>) src(%dma_wait3A_55 : memref<100000x64xf32, #tpu.memory_space<hbm>>) dst(%arg10 : memref<416x64xf32, #tpu.memory_space<vmem>>)
      %dma_wait3A_56 = arith.constant 0 : i32
      %dma_wait3A_57 = tpu.memref_slice %arg7[%dma_wait3A_56] : memref<6656xi32, #tpu.memory_space<vmem>> -> memref<416xi32, #tpu.memory_space<vmem>>
      %dma_wait3A_58 = arith.constant 0 : i32
      %dma_wait3A_59 = arith.constant 0 : i32
      %dma_wait3A_60 = tpu.memref_slice %arg2[%dma_wait3A_58, %dma_wait3A_59] : memref<100000x64xf32, #tpu.memory_space<hbm>> -> memref<100000x64xf32, #tpu.memory_space<hbm>>
      tpu.wait_indirect_dma semaphore(%arg13 : memref<!tpu.dma_semaphore, #tpu.memory_space<semaphore_mem>>) src(%dma_wait3A_60 : memref<100000x64xf32, #tpu.memory_space<hbm>>) dst(%arg11 : memref<416x64xf32, #tpu.memory_space<vmem>>)
      %mul3A_61 = arith.constant 416 : i32
      %mul3A_62 = arith.muli %add3A_50, %mul3A_61 : i32
      %add3A_63 = arith.addi %mul3A_2, %mul3A_62 : i32
      "tpu.region"() ({
        %run_scoped3A = tpu.sem_alloc : memref<!tpu.dma_semaphore, #tpu.memory_space<semaphore_mem>>
        %dma_start3A_64 = arith.constant 0 : i32
        %dma_start3A_65 = tpu.memref_slice %arg5[%add3A_63, %dma_start3A_64] : memref<212992x128xf32, #tpu.memory_space<hbm>> -> memref<416x64xf32, #tpu.memory_space<hbm>>
        %dma_start3A_66 = arith.constant 0 : i32
        %dma_start3A_67 = tpu.memref_slice %arg5[%add3A_63, %dma_start3A_66] : memref<212992x128xf32, #tpu.memory_space<hbm>> -> memref<416x64xf32, #tpu.memory_space<hbm>>
        tpu.enqueue_dma source(%arg10 : memref<416x64xf32, #tpu.memory_space<vmem>>) target(%dma_start3A_67 : memref<416x64xf32, #tpu.memory_space<hbm>>) target_semaphore(%run_scoped3A : memref<!tpu.dma_semaphore, #tpu.memory_space<semaphore_mem>>)
        %dma_wait3A_68 = arith.constant 0 : i32
        %dma_wait3A_69 = tpu.memref_slice %arg5[%add3A_63, %dma_wait3A_68] : memref<212992x128xf32, #tpu.memory_space<hbm>> -> memref<416x64xf32, #tpu.memory_space<hbm>>
        %dma_wait3A_70 = arith.constant 0 : i32
        %dma_wait3A_71 = tpu.memref_slice %arg5[%add3A_63, %dma_wait3A_70] : memref<212992x128xf32, #tpu.memory_space<hbm>> -> memref<416x64xf32, #tpu.memory_space<hbm>>
        tpu.wait_dma2 semaphore(%run_scoped3A : memref<!tpu.dma_semaphore, #tpu.memory_space<semaphore_mem>>) src(%arg10 : memref<416x64xf32, #tpu.memory_space<vmem>>) dst(%dma_wait3A_71 : memref<416x64xf32, #tpu.memory_space<hbm>>)
        tpu.yield
      }) : () -> ()
      "tpu.region"() ({
        %run_scoped3A = tpu.sem_alloc : memref<!tpu.dma_semaphore, #tpu.memory_space<semaphore_mem>>
        %dma_start3A_64 = arith.constant 64 : i32
        %dma_start3A_65 = tpu.memref_slice %arg5[%add3A_63, %dma_start3A_64] : memref<212992x128xf32, #tpu.memory_space<hbm>> -> memref<416x64xf32, #tpu.memory_space<hbm>>
        %dma_start3A_66 = arith.constant 64 : i32
        %dma_start3A_67 = tpu.memref_slice %arg5[%add3A_63, %dma_start3A_66] : memref<212992x128xf32, #tpu.memory_space<hbm>> -> memref<416x64xf32, #tpu.memory_space<hbm>>
        tpu.enqueue_dma source(%arg11 : memref<416x64xf32, #tpu.memory_space<vmem>>) target(%dma_start3A_67 : memref<416x64xf32, #tpu.memory_space<hbm>>) target_semaphore(%run_scoped3A : memref<!tpu.dma_semaphore, #tpu.memory_space<semaphore_mem>>)
        %dma_wait3A_68 = arith.constant 64 : i32
        %dma_wait3A_69 = tpu.memref_slice %arg5[%add3A_63, %dma_wait3A_68] : memref<212992x128xf32, #tpu.memory_space<hbm>> -> memref<416x64xf32, #tpu.memory_space<hbm>>
        %dma_wait3A_70 = arith.constant 64 : i32
        %dma_wait3A_71 = tpu.memref_slice %arg5[%add3A_63, %dma_wait3A_70] : memref<212992x128xf32, #tpu.memory_space<hbm>> -> memref<416x64xf32, #tpu.memory_space<hbm>>
        tpu.wait_dma2 semaphore(%run_scoped3A : memref<!tpu.dma_semaphore, #tpu.memory_space<semaphore_mem>>) src(%arg11 : memref<416x64xf32, #tpu.memory_space<vmem>>) dst(%dma_wait3A_71 : memref<416x64xf32, #tpu.memory_space<hbm>>)
        tpu.yield
      }) : () -> ()
    }
    %scan3A_15 = arith.constant 8 : i32
    return
  }
}

module attributes {stable_mosaic.version = 14 : i64} {
  func.func @_mlp_body(%arg0: i32, %arg1: memref<13x2048x128xf32, #tpu.memory_space<vmem>>, %arg2: memref<13x128x64xf32, #tpu.memory_space<vmem>>, %arg3: memref<1x64xf32, #tpu.memory_space<vmem>>, %arg4: memref<64x32xf32, #tpu.memory_space<vmem>>, %arg5: memref<1x32xf32, #tpu.memory_space<vmem>>, %arg6: memref<32x1xf32, #tpu.memory_space<vmem>>, %arg7: memref<1x1xf32, #tpu.memory_space<vmem>>, %arg8: memref<2048x1xf32, #tpu.memory_space<vmem>>) attributes {dimension_semantics = [#tpu.dimension_semantics<arbitrary>], iteration_bounds = array<i64: 8>, scalar_prefetch = 0 : i64, scratch_operands = 0 : i64, tpu.core_type = #tpu.core_type<tc>, window_params = [{transform_indices = @transform_0, window_bounds = array<i64: 13, 2048, 128>}, {pipeline_mode = #tpu.pipeline_mode<synchronous>, transform_indices = @transform_1, window_bounds = array<i64: 13, 128, 64>}, {pipeline_mode = #tpu.pipeline_mode<synchronous>, transform_indices = @transform_2, window_bounds = array<i64: 1, 64>}, {pipeline_mode = #tpu.pipeline_mode<synchronous>, transform_indices = @transform_3, window_bounds = array<i64: 64, 32>}, {pipeline_mode = #tpu.pipeline_mode<synchronous>, transform_indices = @transform_4, window_bounds = array<i64: 1, 32>}, {pipeline_mode = #tpu.pipeline_mode<synchronous>, transform_indices = @transform_5, window_bounds = array<i64: 32, 1>}, {pipeline_mode = #tpu.pipeline_mode<synchronous>, transform_indices = @transform_6, window_bounds = array<i64: 1, 1>}, {transform_indices = @transform_7, window_bounds = array<i64: 2048, 1>}]} {
    %get3A = arith.constant 0 : index
    %get3A_0 = arith.constant 0 : index
    %get3A_1 = arith.constant 0 : index
    %get3A_2 = vector.load %arg1[%get3A, %get3A_0, %get3A_1] : memref<13x2048x128xf32, #tpu.memory_space<vmem>>, vector<1x2048x128xf32>
    %get3A_3 = vector.shape_cast %get3A_2 : vector<1x2048x128xf32> to vector<2048x128xf32>
    %get3A_4 = arith.constant 0 : index
    %get3A_5 = arith.constant 0 : index
    %get3A_6 = arith.constant 0 : index
    %get3A_7 = vector.load %arg2[%get3A_4, %get3A_5, %get3A_6] : memref<13x128x64xf32, #tpu.memory_space<vmem>>, vector<1x128x64xf32>
    %get3A_8 = vector.shape_cast %get3A_7 : vector<1x128x64xf32> to vector<128x64xf32>
    %dot_general3A = arith.constant dense<0.000000e+00> : vector<2048x64xf32>
    %dot_general3A_9 = tpu.matmul %get3A_3, %get3A_8, %dot_general3A {dimension_numbers = #tpu.dot_dimension_numbers<[1], [0], [0], [1], [0, 0, 1, 1], [], []>, transpose_lhs_hint = false} : vector<2048x128xf32>, vector<128x64xf32>, vector<2048x64xf32> -> vector<2048x64xf32>
    %get3A_10 = arith.constant 1 : index
    %get3A_11 = arith.constant 0 : index
    %get3A_12 = arith.constant 0 : index
    %get3A_13 = vector.load %arg1[%get3A_10, %get3A_11, %get3A_12] : memref<13x2048x128xf32, #tpu.memory_space<vmem>>, vector<1x2048x128xf32>
    %get3A_14 = vector.shape_cast %get3A_13 : vector<1x2048x128xf32> to vector<2048x128xf32>
    %get3A_15 = arith.constant 1 : index
    %get3A_16 = arith.constant 0 : index
    %get3A_17 = arith.constant 0 : index
    %get3A_18 = vector.load %arg2[%get3A_15, %get3A_16, %get3A_17] : memref<13x128x64xf32, #tpu.memory_space<vmem>>, vector<1x128x64xf32>
    %get3A_19 = vector.shape_cast %get3A_18 : vector<1x128x64xf32> to vector<128x64xf32>
    %dot_general3A_20 = arith.constant dense<0.000000e+00> : vector<2048x64xf32>
    %dot_general3A_21 = tpu.matmul %get3A_14, %get3A_19, %dot_general3A_20 {dimension_numbers = #tpu.dot_dimension_numbers<[1], [0], [0], [1], [0, 0, 1, 1], [], []>, transpose_lhs_hint = false} : vector<2048x128xf32>, vector<128x64xf32>, vector<2048x64xf32> -> vector<2048x64xf32>
    %add3A = arith.addf %dot_general3A_9, %dot_general3A_21 : vector<2048x64xf32>
    %get3A_22 = arith.constant 2 : index
    %get3A_23 = arith.constant 0 : index
    %get3A_24 = arith.constant 0 : index
    %get3A_25 = vector.load %arg1[%get3A_22, %get3A_23, %get3A_24] : memref<13x2048x128xf32, #tpu.memory_space<vmem>>, vector<1x2048x128xf32>
    %get3A_26 = vector.shape_cast %get3A_25 : vector<1x2048x128xf32> to vector<2048x128xf32>
    %get3A_27 = arith.constant 2 : index
    %get3A_28 = arith.constant 0 : index
    %get3A_29 = arith.constant 0 : index
    %get3A_30 = vector.load %arg2[%get3A_27, %get3A_28, %get3A_29] : memref<13x128x64xf32, #tpu.memory_space<vmem>>, vector<1x128x64xf32>
    %get3A_31 = vector.shape_cast %get3A_30 : vector<1x128x64xf32> to vector<128x64xf32>
    %dot_general3A_32 = arith.constant dense<0.000000e+00> : vector<2048x64xf32>
    %dot_general3A_33 = tpu.matmul %get3A_26, %get3A_31, %dot_general3A_32 {dimension_numbers = #tpu.dot_dimension_numbers<[1], [0], [0], [1], [0, 0, 1, 1], [], []>, transpose_lhs_hint = false} : vector<2048x128xf32>, vector<128x64xf32>, vector<2048x64xf32> -> vector<2048x64xf32>
    %add3A_34 = arith.addf %add3A, %dot_general3A_33 : vector<2048x64xf32>
    %get3A_35 = arith.constant 3 : index
    %get3A_36 = arith.constant 0 : index
    %get3A_37 = arith.constant 0 : index
    %get3A_38 = vector.load %arg1[%get3A_35, %get3A_36, %get3A_37] : memref<13x2048x128xf32, #tpu.memory_space<vmem>>, vector<1x2048x128xf32>
    %get3A_39 = vector.shape_cast %get3A_38 : vector<1x2048x128xf32> to vector<2048x128xf32>
    %get3A_40 = arith.constant 3 : index
    %get3A_41 = arith.constant 0 : index
    %get3A_42 = arith.constant 0 : index
    %get3A_43 = vector.load %arg2[%get3A_40, %get3A_41, %get3A_42] : memref<13x128x64xf32, #tpu.memory_space<vmem>>, vector<1x128x64xf32>
    %get3A_44 = vector.shape_cast %get3A_43 : vector<1x128x64xf32> to vector<128x64xf32>
    %dot_general3A_45 = arith.constant dense<0.000000e+00> : vector<2048x64xf32>
    %dot_general3A_46 = tpu.matmul %get3A_39, %get3A_44, %dot_general3A_45 {dimension_numbers = #tpu.dot_dimension_numbers<[1], [0], [0], [1], [0, 0, 1, 1], [], []>, transpose_lhs_hint = false} : vector<2048x128xf32>, vector<128x64xf32>, vector<2048x64xf32> -> vector<2048x64xf32>
    %add3A_47 = arith.addf %add3A_34, %dot_general3A_46 : vector<2048x64xf32>
    %get3A_48 = arith.constant 4 : index
    %get3A_49 = arith.constant 0 : index
    %get3A_50 = arith.constant 0 : index
    %get3A_51 = vector.load %arg1[%get3A_48, %get3A_49, %get3A_50] : memref<13x2048x128xf32, #tpu.memory_space<vmem>>, vector<1x2048x128xf32>
    %get3A_52 = vector.shape_cast %get3A_51 : vector<1x2048x128xf32> to vector<2048x128xf32>
    %get3A_53 = arith.constant 4 : index
    %get3A_54 = arith.constant 0 : index
    %get3A_55 = arith.constant 0 : index
    %get3A_56 = vector.load %arg2[%get3A_53, %get3A_54, %get3A_55] : memref<13x128x64xf32, #tpu.memory_space<vmem>>, vector<1x128x64xf32>
    %get3A_57 = vector.shape_cast %get3A_56 : vector<1x128x64xf32> to vector<128x64xf32>
    %dot_general3A_58 = arith.constant dense<0.000000e+00> : vector<2048x64xf32>
    %dot_general3A_59 = tpu.matmul %get3A_52, %get3A_57, %dot_general3A_58 {dimension_numbers = #tpu.dot_dimension_numbers<[1], [0], [0], [1], [0, 0, 1, 1], [], []>, transpose_lhs_hint = false} : vector<2048x128xf32>, vector<128x64xf32>, vector<2048x64xf32> -> vector<2048x64xf32>
    %add3A_60 = arith.addf %add3A_47, %dot_general3A_59 : vector<2048x64xf32>
    %get3A_61 = arith.constant 5 : index
    %get3A_62 = arith.constant 0 : index
    %get3A_63 = arith.constant 0 : index
    %get3A_64 = vector.load %arg1[%get3A_61, %get3A_62, %get3A_63] : memref<13x2048x128xf32, #tpu.memory_space<vmem>>, vector<1x2048x128xf32>
    %get3A_65 = vector.shape_cast %get3A_64 : vector<1x2048x128xf32> to vector<2048x128xf32>
    %get3A_66 = arith.constant 5 : index
    %get3A_67 = arith.constant 0 : index
    %get3A_68 = arith.constant 0 : index
    %get3A_69 = vector.load %arg2[%get3A_66, %get3A_67, %get3A_68] : memref<13x128x64xf32, #tpu.memory_space<vmem>>, vector<1x128x64xf32>
    %get3A_70 = vector.shape_cast %get3A_69 : vector<1x128x64xf32> to vector<128x64xf32>
    %dot_general3A_71 = arith.constant dense<0.000000e+00> : vector<2048x64xf32>
    %dot_general3A_72 = tpu.matmul %get3A_65, %get3A_70, %dot_general3A_71 {dimension_numbers = #tpu.dot_dimension_numbers<[1], [0], [0], [1], [0, 0, 1, 1], [], []>, transpose_lhs_hint = false} : vector<2048x128xf32>, vector<128x64xf32>, vector<2048x64xf32> -> vector<2048x64xf32>
    %add3A_73 = arith.addf %add3A_60, %dot_general3A_72 : vector<2048x64xf32>
    %get3A_74 = arith.constant 6 : index
    %get3A_75 = arith.constant 0 : index
    %get3A_76 = arith.constant 0 : index
    %get3A_77 = vector.load %arg1[%get3A_74, %get3A_75, %get3A_76] : memref<13x2048x128xf32, #tpu.memory_space<vmem>>, vector<1x2048x128xf32>
    %get3A_78 = vector.shape_cast %get3A_77 : vector<1x2048x128xf32> to vector<2048x128xf32>
    %get3A_79 = arith.constant 6 : index
    %get3A_80 = arith.constant 0 : index
    %get3A_81 = arith.constant 0 : index
    %get3A_82 = vector.load %arg2[%get3A_79, %get3A_80, %get3A_81] : memref<13x128x64xf32, #tpu.memory_space<vmem>>, vector<1x128x64xf32>
    %get3A_83 = vector.shape_cast %get3A_82 : vector<1x128x64xf32> to vector<128x64xf32>
    %dot_general3A_84 = arith.constant dense<0.000000e+00> : vector<2048x64xf32>
    %dot_general3A_85 = tpu.matmul %get3A_78, %get3A_83, %dot_general3A_84 {dimension_numbers = #tpu.dot_dimension_numbers<[1], [0], [0], [1], [0, 0, 1, 1], [], []>, transpose_lhs_hint = false} : vector<2048x128xf32>, vector<128x64xf32>, vector<2048x64xf32> -> vector<2048x64xf32>
    %add3A_86 = arith.addf %add3A_73, %dot_general3A_85 : vector<2048x64xf32>
    %get3A_87 = arith.constant 7 : index
    %get3A_88 = arith.constant 0 : index
    %get3A_89 = arith.constant 0 : index
    %get3A_90 = vector.load %arg1[%get3A_87, %get3A_88, %get3A_89] : memref<13x2048x128xf32, #tpu.memory_space<vmem>>, vector<1x2048x128xf32>
    %get3A_91 = vector.shape_cast %get3A_90 : vector<1x2048x128xf32> to vector<2048x128xf32>
    %get3A_92 = arith.constant 7 : index
    %get3A_93 = arith.constant 0 : index
    %get3A_94 = arith.constant 0 : index
    %get3A_95 = vector.load %arg2[%get3A_92, %get3A_93, %get3A_94] : memref<13x128x64xf32, #tpu.memory_space<vmem>>, vector<1x128x64xf32>
    %get3A_96 = vector.shape_cast %get3A_95 : vector<1x128x64xf32> to vector<128x64xf32>
    %dot_general3A_97 = arith.constant dense<0.000000e+00> : vector<2048x64xf32>
    %dot_general3A_98 = tpu.matmul %get3A_91, %get3A_96, %dot_general3A_97 {dimension_numbers = #tpu.dot_dimension_numbers<[1], [0], [0], [1], [0, 0, 1, 1], [], []>, transpose_lhs_hint = false} : vector<2048x128xf32>, vector<128x64xf32>, vector<2048x64xf32> -> vector<2048x64xf32>
    %add3A_99 = arith.addf %add3A_86, %dot_general3A_98 : vector<2048x64xf32>
    %get3A_100 = arith.constant 8 : index
    %get3A_101 = arith.constant 0 : index
    %get3A_102 = arith.constant 0 : index
    %get3A_103 = vector.load %arg1[%get3A_100, %get3A_101, %get3A_102] : memref<13x2048x128xf32, #tpu.memory_space<vmem>>, vector<1x2048x128xf32>
    %get3A_104 = vector.shape_cast %get3A_103 : vector<1x2048x128xf32> to vector<2048x128xf32>
    %get3A_105 = arith.constant 8 : index
    %get3A_106 = arith.constant 0 : index
    %get3A_107 = arith.constant 0 : index
    %get3A_108 = vector.load %arg2[%get3A_105, %get3A_106, %get3A_107] : memref<13x128x64xf32, #tpu.memory_space<vmem>>, vector<1x128x64xf32>
    %get3A_109 = vector.shape_cast %get3A_108 : vector<1x128x64xf32> to vector<128x64xf32>
    %dot_general3A_110 = arith.constant dense<0.000000e+00> : vector<2048x64xf32>
    %dot_general3A_111 = tpu.matmul %get3A_104, %get3A_109, %dot_general3A_110 {dimension_numbers = #tpu.dot_dimension_numbers<[1], [0], [0], [1], [0, 0, 1, 1], [], []>, transpose_lhs_hint = false} : vector<2048x128xf32>, vector<128x64xf32>, vector<2048x64xf32> -> vector<2048x64xf32>
    %add3A_112 = arith.addf %add3A_99, %dot_general3A_111 : vector<2048x64xf32>
    %get3A_113 = arith.constant 9 : index
    %get3A_114 = arith.constant 0 : index
    %get3A_115 = arith.constant 0 : index
    %get3A_116 = vector.load %arg1[%get3A_113, %get3A_114, %get3A_115] : memref<13x2048x128xf32, #tpu.memory_space<vmem>>, vector<1x2048x128xf32>
    %get3A_117 = vector.shape_cast %get3A_116 : vector<1x2048x128xf32> to vector<2048x128xf32>
    %get3A_118 = arith.constant 9 : index
    %get3A_119 = arith.constant 0 : index
    %get3A_120 = arith.constant 0 : index
    %get3A_121 = vector.load %arg2[%get3A_118, %get3A_119, %get3A_120] : memref<13x128x64xf32, #tpu.memory_space<vmem>>, vector<1x128x64xf32>
    %get3A_122 = vector.shape_cast %get3A_121 : vector<1x128x64xf32> to vector<128x64xf32>
    %dot_general3A_123 = arith.constant dense<0.000000e+00> : vector<2048x64xf32>
    %dot_general3A_124 = tpu.matmul %get3A_117, %get3A_122, %dot_general3A_123 {dimension_numbers = #tpu.dot_dimension_numbers<[1], [0], [0], [1], [0, 0, 1, 1], [], []>, transpose_lhs_hint = false} : vector<2048x128xf32>, vector<128x64xf32>, vector<2048x64xf32> -> vector<2048x64xf32>
    %add3A_125 = arith.addf %add3A_112, %dot_general3A_124 : vector<2048x64xf32>
    %get3A_126 = arith.constant 10 : index
    %get3A_127 = arith.constant 0 : index
    %get3A_128 = arith.constant 0 : index
    %get3A_129 = vector.load %arg1[%get3A_126, %get3A_127, %get3A_128] : memref<13x2048x128xf32, #tpu.memory_space<vmem>>, vector<1x2048x128xf32>
    %get3A_130 = vector.shape_cast %get3A_129 : vector<1x2048x128xf32> to vector<2048x128xf32>
    %get3A_131 = arith.constant 10 : index
    %get3A_132 = arith.constant 0 : index
    %get3A_133 = arith.constant 0 : index
    %get3A_134 = vector.load %arg2[%get3A_131, %get3A_132, %get3A_133] : memref<13x128x64xf32, #tpu.memory_space<vmem>>, vector<1x128x64xf32>
    %get3A_135 = vector.shape_cast %get3A_134 : vector<1x128x64xf32> to vector<128x64xf32>
    %dot_general3A_136 = arith.constant dense<0.000000e+00> : vector<2048x64xf32>
    %dot_general3A_137 = tpu.matmul %get3A_130, %get3A_135, %dot_general3A_136 {dimension_numbers = #tpu.dot_dimension_numbers<[1], [0], [0], [1], [0, 0, 1, 1], [], []>, transpose_lhs_hint = false} : vector<2048x128xf32>, vector<128x64xf32>, vector<2048x64xf32> -> vector<2048x64xf32>
    %add3A_138 = arith.addf %add3A_125, %dot_general3A_137 : vector<2048x64xf32>
    %get3A_139 = arith.constant 11 : index
    %get3A_140 = arith.constant 0 : index
    %get3A_141 = arith.constant 0 : index
    %get3A_142 = vector.load %arg1[%get3A_139, %get3A_140, %get3A_141] : memref<13x2048x128xf32, #tpu.memory_space<vmem>>, vector<1x2048x128xf32>
    %get3A_143 = vector.shape_cast %get3A_142 : vector<1x2048x128xf32> to vector<2048x128xf32>
    %get3A_144 = arith.constant 11 : index
    %get3A_145 = arith.constant 0 : index
    %get3A_146 = arith.constant 0 : index
    %get3A_147 = vector.load %arg2[%get3A_144, %get3A_145, %get3A_146] : memref<13x128x64xf32, #tpu.memory_space<vmem>>, vector<1x128x64xf32>
    %get3A_148 = vector.shape_cast %get3A_147 : vector<1x128x64xf32> to vector<128x64xf32>
    %dot_general3A_149 = arith.constant dense<0.000000e+00> : vector<2048x64xf32>
    %dot_general3A_150 = tpu.matmul %get3A_143, %get3A_148, %dot_general3A_149 {dimension_numbers = #tpu.dot_dimension_numbers<[1], [0], [0], [1], [0, 0, 1, 1], [], []>, transpose_lhs_hint = false} : vector<2048x128xf32>, vector<128x64xf32>, vector<2048x64xf32> -> vector<2048x64xf32>
    %add3A_151 = arith.addf %add3A_138, %dot_general3A_150 : vector<2048x64xf32>
    %get3A_152 = arith.constant 12 : index
    %get3A_153 = arith.constant 0 : index
    %get3A_154 = arith.constant 0 : index
    %get3A_155 = vector.load %arg1[%get3A_152, %get3A_153, %get3A_154] : memref<13x2048x128xf32, #tpu.memory_space<vmem>>, vector<1x2048x128xf32>
    %get3A_156 = vector.shape_cast %get3A_155 : vector<1x2048x128xf32> to vector<2048x128xf32>
    %get3A_157 = arith.constant 12 : index
    %get3A_158 = arith.constant 0 : index
    %get3A_159 = arith.constant 0 : index
    %get3A_160 = vector.load %arg2[%get3A_157, %get3A_158, %get3A_159] : memref<13x128x64xf32, #tpu.memory_space<vmem>>, vector<1x128x64xf32>
    %get3A_161 = vector.shape_cast %get3A_160 : vector<1x128x64xf32> to vector<128x64xf32>
    %dot_general3A_162 = arith.constant dense<0.000000e+00> : vector<2048x64xf32>
    %dot_general3A_163 = tpu.matmul %get3A_156, %get3A_161, %dot_general3A_162 {dimension_numbers = #tpu.dot_dimension_numbers<[1], [0], [0], [1], [0, 0, 1, 1], [], []>, transpose_lhs_hint = false} : vector<2048x128xf32>, vector<128x64xf32>, vector<2048x64xf32> -> vector<2048x64xf32>
    %add3A_164 = arith.addf %add3A_151, %dot_general3A_163 : vector<2048x64xf32>
    %get3A_165 = arith.constant 0 : index
    %get3A_166 = arith.constant 0 : index
    %get3A_167 = vector.load %arg3[%get3A_165, %get3A_166] : memref<1x64xf32, #tpu.memory_space<vmem>>, vector<1x64xf32>
    %add3A_168 = vector.broadcast %get3A_167 : vector<1x64xf32> to vector<2048x64xf32>
    %add3A_169 = arith.addf %add3A_164, %add3A_168 : vector<2048x64xf32>
    %max3A = arith.constant 0.000000e+00 : f32
    %max3A_170 = vector.broadcast %max3A : f32 to vector<2048x64xf32>
    %max3A_171 = arith.maximumf %add3A_169, %max3A_170 : vector<2048x64xf32>
    %get3A_172 = arith.constant 0 : index
    %get3A_173 = arith.constant 0 : index
    %get3A_174 = vector.load %arg4[%get3A_172, %get3A_173] : memref<64x32xf32, #tpu.memory_space<vmem>>, vector<64x32xf32>
    %dot_general3A_175 = arith.constant dense<0.000000e+00> : vector<2048x32xf32>
    %dot_general3A_176 = tpu.matmul %max3A_171, %get3A_174, %dot_general3A_175 {dimension_numbers = #tpu.dot_dimension_numbers<[1], [0], [0], [1], [0, 0, 1, 1], [], []>, transpose_lhs_hint = false} : vector<2048x64xf32>, vector<64x32xf32>, vector<2048x32xf32> -> vector<2048x32xf32>
    %get3A_177 = arith.constant 0 : index
    %get3A_178 = arith.constant 0 : index
    %get3A_179 = vector.load %arg5[%get3A_177, %get3A_178] : memref<1x32xf32, #tpu.memory_space<vmem>>, vector<1x32xf32>
    %add3A_180 = vector.broadcast %get3A_179 : vector<1x32xf32> to vector<2048x32xf32>
    %add3A_181 = arith.addf %dot_general3A_176, %add3A_180 : vector<2048x32xf32>
    %max3A_182 = arith.constant 0.000000e+00 : f32
    %max3A_183 = vector.broadcast %max3A_182 : f32 to vector<2048x32xf32>
    %max3A_184 = arith.maximumf %add3A_181, %max3A_183 : vector<2048x32xf32>
    %get3A_185 = arith.constant 0 : index
    %get3A_186 = arith.constant 0 : index
    %get3A_187 = vector.load %arg6[%get3A_185, %get3A_186] : memref<32x1xf32, #tpu.memory_space<vmem>>, vector<32x1xf32>
    %dot_general3A_188 = arith.constant dense<0.000000e+00> : vector<2048x1xf32>
    %dot_general3A_189 = tpu.matmul %max3A_184, %get3A_187, %dot_general3A_188 {dimension_numbers = #tpu.dot_dimension_numbers<[1], [0], [0], [1], [0, 0, 1, 1], [], []>, transpose_lhs_hint = false} : vector<2048x32xf32>, vector<32x1xf32>, vector<2048x1xf32> -> vector<2048x1xf32>
    %get3A_190 = arith.constant 0 : index
    %get3A_191 = arith.constant 0 : index
    %get3A_192 = vector.load %arg7[%get3A_190, %get3A_191] : memref<1x1xf32, #tpu.memory_space<vmem>>, vector<1x1xf32>
    %add3A_193 = vector.broadcast %get3A_192 : vector<1x1xf32> to vector<2048x1xf32>
    %add3A_194 = arith.addf %dot_general3A_189, %add3A_193 : vector<2048x1xf32>
    %swap3A = arith.constant 0 : index
    %swap3A_195 = arith.constant 0 : index
    %swap3A_196 = vector.load %arg8[%swap3A, %swap3A_195] : memref<2048x1xf32, #tpu.memory_space<vmem>>, vector<2048x1xf32>
    tpu.vector_store %arg8[%swap3A, %swap3A_195], %add3A_194 {strides = array<i32>} : memref<2048x1xf32, #tpu.memory_space<vmem>>, vector<2048x1xf32>,
    return
  }
  func.func @transform_0(%arg0: i32) -> (i32, i32, i32) {
    %c0_i32 = arith.constant 0 : i32
    %c0_i32_0 = arith.constant 0 : i32
    %c0_i32_1 = arith.constant 0 : i32
    return %c0_i32, %arg0, %c0_i32_0 : i32, i32, i32
  }
  func.func @transform_1(%arg0: i32) -> (i32, i32, i32) {
    %c0_i32 = arith.constant 0 : i32
    %c0_i32_0 = arith.constant 0 : i32
    %c0_i32_1 = arith.constant 0 : i32
    %c0_i32_2 = arith.constant 0 : i32
    return %c0_i32, %c0_i32_0, %c0_i32_1 : i32, i32, i32
  }
  func.func @transform_2(%arg0: i32) -> (i32, i32) {
    %c0_i32 = arith.constant 0 : i32
    %c0_i32_0 = arith.constant 0 : i32
    %c0_i32_1 = arith.constant 0 : i32
    return %c0_i32, %c0_i32_0 : i32, i32
  }
  func.func @transform_3(%arg0: i32) -> (i32, i32) {
    %c0_i32 = arith.constant 0 : i32
    %c0_i32_0 = arith.constant 0 : i32
    %c0_i32_1 = arith.constant 0 : i32
    return %c0_i32, %c0_i32_0 : i32, i32
  }
  func.func @transform_4(%arg0: i32) -> (i32, i32) {
    %c0_i32 = arith.constant 0 : i32
    %c0_i32_0 = arith.constant 0 : i32
    %c0_i32_1 = arith.constant 0 : i32
    return %c0_i32, %c0_i32_0 : i32, i32
  }
  func.func @transform_5(%arg0: i32) -> (i32, i32) {
    %c0_i32 = arith.constant 0 : i32
    %c0_i32_0 = arith.constant 0 : i32
    %c0_i32_1 = arith.constant 0 : i32
    return %c0_i32, %c0_i32_0 : i32, i32
  }
  func.func @transform_6(%arg0: i32) -> (i32, i32) {
    %c0_i32 = arith.constant 0 : i32
    %c0_i32_0 = arith.constant 0 : i32
    %c0_i32_1 = arith.constant 0 : i32
    return %c0_i32, %c0_i32_0 : i32, i32
  }
  func.func @transform_7(%arg0: i32) -> (i32, i32) {
    %c0_i32 = arith.constant 0 : i32
    %c0_i32_0 = arith.constant 0 : i32
    return %arg0, %c0_i32 : i32, i32
  }
}

</mosaic_0001>

<sc_bundles>
// kernel: kernel.4.cloned.1.call-start
scs
__scs_entry_jumppad:
0x0: {  	(pc) =	sbr.rel $0x88, $3  }
0x1: {  	(tag) =	ssettag $0x0;
	lr =	simm.s32 $0x1  }
0x2: {  	[smem:$0x3F99] =	sst lr;
	_ =	strace $0xD0000000  }
0x3: {  	_ = 	snop  }
0x4: {  	_ = 	snop  }
0x5: {  	_ = 	snop  }
0x6: {  	_ = 	snop  }
0x7: {  	_ = 	snop  }
__scs_overlays_trampoline_lowered:
0x8: {  	[smem:$0x3FA8] =	sst s0  }
0x9: {  	[smem:$0x3FA9] =	sst s1  }
0xa: {  	[smem:$0x3FAA] =	sst s2  }
0xb: {  	[smem:$0x3FAB] =	sst s3  }
0xc: {  	[smem:$0x3FAC] =	sst s4  }
0xd: {  	[smem:$0x3FAD] =	sst s5  }
0xe: {  	[smem:$0x3FAE] =	sst s6  }
0xf: {  	[smem:$0x3FAF] =	sst s7  }
0x10: {  	[smem:$0x3FB0] =	sst s8  }
0x11: {  	[smem:$0x3FB1] =	sst s9;
	s0 =	simm.s32 @!p0 $0x0  }
0x12: {  	s1 =	sld [smem:$0x3F97];
	s0 =	simm.s32 @p0 $0x1  }
0x13: {  	[smem:$0x3FB2] =	sst s0;
	s0 =	simm.s32 @!p1 $0x0  }
0x14: {  	s2 =	sld [smem:$0x3F96];
	s0 =	simm.s32 @p1 $0x1  }
0x15: {  	[smem:$0x3FB3] =	sst s0;
	s0 =	simm.s32 @!p2 $0x0  }
0x16: {  	s3 =	sld [smem:$0x3FDB];
	s0 =	simm.s32 @p2 $0x1  }
0x17: {  	s4 =	simm.s32 $0x1BF5;
	[smem:$0x3FB5] =	sst s0  }
0x18: {  	s0 =	sld [smem:$0x3F98];
	_ =	swait.ge [sflag:s4], $0x0  }
0x19: {  	s7 =	sld [smem:$0x3F99]  }
0x1a: {  	s8 =	sadd.s32 $0xFFFFE003, lr  }
0x1b: {  	s9 =	sadd.s32 $0xFFFFFEF7, lr;
	s5 =	simm.s32 $0xFFFFFFFF;
	p2 =	slt.u32 s8, $0xFFFFF086  }
0x1c: {  	p1 =	slt.u32 s9, $0xF7A;
	s5 =	simm.s32 @!p2 $0x0  }
0x1d: {  	s5 =	simm.s32 @p1 $0x1;
	p0 =	seq.s32 s7, s2  }
0x1e: {  	s7 =	smul.u32 @!p0 $0xF7A, s2;
	p2 =	seq.s32 @!p0 s5, $0x0  }
0x1f: {  	s9 =	smul.u32 $0xF7A, s1;
	s8 =	simm.s32 @!p0 $0x1BF5;
	p2 =	por !p2, p0  }
0x20: {  	[sflag:s8] =	ssyncset.s32 @!p0 $0xFFFFF086;
	s6 =	sadd.s32 @!p0 s3, s7;
	s7 =	simm.s32 @!p0 $0x108  }
0x21: {  	s3 =	sadd.s32 s3, s9;
	s6 =	sadd.s32 @!p0 $0x88, s6;
	s7 =	simm.s32 @p2 $0x1082  }
0x22: {  	[simem:s7], [sflag:s8] =	dma.local @!p0 [hbm:s6], $0xF7A  }
0x23: {  	s9 =	sor.u32 $0xD0000000, s2;
	s6 =	simm.s32 $0x108;
	_ =	swait.ge @!p0 [sflag:s8], $0x0  }
0x24: {  	s3 =	sadd.s32 $0x88, s3;
	s6 =	simm.s32 @!p1 $0x1082;
	[sflag:s4] =	ssyncset.s32 $0xFFFFF086  }
0x25: {  	[simem:s6], [sflag:s4] =	dma.local [hbm:s3], $0xF7A  }
0x26: {  	[smem:$0x3F99] =	sst s1;
	(tag) =	ssettag s2;
	_ =	strace s9  }
0x27: {  	s1 =	sld [smem:$0x3FA9]  }
0x28: {  	s2 =	sld [smem:$0x3FAA]  }
0x29: {  	s4 =	sld [smem:$0x3FAC]  }
0x2a: {  	p0 =	seq.s32 s5, $0x0;
	s5 =	sld [smem:$0x3FAD]  }
0x2b: {  	s6 =	sld [smem:$0x3FAE]  }
0x2c: {  	s7 =	sld [smem:$0x3FAF]  }
0x2d: {  	s3 =	simm.s32 $0x108;
	s8 =	sld [smem:$0x3FB0]  }
0x2e: {  	s3 =	simm.s32 @!p0 $0x1082;
	s9 =	sld [smem:$0x3FB1]  }
0x2f: {  	lr =	sadd.s32 s0, s3;
	s0 =	sld [smem:$0x3FA8]  }
0x30: {  	s3 =	sld [smem:$0x3FAB]  }
0x31: {  	[smem:$0x3FB4] =	sst s10  }
0x32: {  	s10 =	sld [smem:$0x3FB2];
	_ =	sdelay $0x3  }
0x33: {  	p0 =	seq.s32 s10, $0x1;
	s10 =	sld [smem:$0x3FB4];
	_ =	sdelay $0x3  }
0x34: {  	[smem:$0x3FB4] =	sst s10  }
0x35: {  	s10 =	sld [smem:$0x3FB3];
	_ =	sdelay $0x3  }
0x36: {  	p1 =	seq.s32 s10, $0x1;
	s10 =	sld [smem:$0x3FB4];
	_ =	sdelay $0x3  }
0x37: {  	[smem:$0x3FB4] =	sst s10  }
0x38: {  	s10 =	sld [smem:$0x3FB5]  }
0x39: {  	_ = 	snop;
	(pc) =	sbr.ind lr, $3  }
0x3a: {  	_ = 	snop  }
0x3b: {  	_ = 	snop  }
0x3c: {  	p2 =	seq.s32 s10, $0x1;
	s10 =	sld [smem:$0x3FB4]  }
0x3d: {  	_ =	shalt  }
0x3e: {  	_ =	shalt  }
0x3f: {  	_ =	shalt  }
0x40: {  	_ =	shalt  }
0x41: {  	_ =	shalt  }
0x42: {  	_ =	shalt  }
0x43: {  	_ =	shalt  }
0x44: {  	_ =	shalt  }
0x45: {  	_ =	shalt  }
0x46: {  	_ =	shalt  }
0x47: {  	_ =	shalt  }
0x48: {  	_ =	shalt  }
0x49: {  	_ =	shalt  }
0x4a: {  	_ =	shalt  }
0x4b: {  	_ =	shalt  }
0x4c: {  	_ =	shalt  }
0x4d: {  	_ =	shalt  }
0x4e: {  	_ =	shalt  }
0x4f: {  	_ =	shalt  }
0x50: {  	_ =	shalt  }
0x51: {  	_ =	shalt  }
0x52: {  	_ =	shalt  }
0x53: {  	_ =	shalt  }
0x54: {  	_ =	shalt  }
0x55: {  	_ =	shalt  }
0x56: {  	_ =	shalt  }
0x57: {  	_ =	shalt  }
0x58: {  	_ =	shalt  }
0x59: {  	_ =	shalt  }
0x5a: {  	_ =	shalt  }
0x5b: {  	_ =	shalt  }
0x5c: {  	_ =	shalt  }
0x5d: {  	_ =	shalt  }
0x5e: {  	_ =	shalt  }
0x5f: {  	_ =	shalt  }
0x60: {  	_ =	shalt  }
0x61: {  	_ =	shalt  }
0x62: {  	_ =	shalt  }
0x63: {  	_ =	shalt  }
0x64: {  	_ =	shalt  }
0x65: {  	_ =	shalt  }
0x66: {  	_ =	shalt  }
0x67: {  	_ =	shalt  }
0x68: {  	_ =	shalt  }
0x69: {  	_ =	shalt  }
0x6a: {  	_ =	shalt  }
0x6b: {  	_ =	shalt  }
0x6c: {  	_ =	shalt  }
0x6d: {  	_ =	shalt  }
0x6e: {  	_ =	shalt  }
0x6f: {  	_ =	shalt  }
0x70: {  	_ =	shalt  }
0x71: {  	_ =	shalt  }
0x72: {  	_ =	shalt  }
0x73: {  	_ =	shalt  }
0x74: {  	_ =	shalt  }
0x75: {  	_ =	shalt  }
0x76: {  	_ =	shalt  }
0x77: {  	_ =	shalt  }
0x78: {  	_ =	shalt  }
0x79: {  	_ =	shalt  }
0x7a: {  	_ =	shalt  }
0x7b: {  	_ =	shalt  }
0x7c: {  	_ =	shalt  }
0x7d: {  	_ =	shalt  }
0x7e: {  	_ =	shalt  }
0x7f: {  	_ =	shalt  }
0x80: {  	_ =	shalt  }
0x81: {  	_ =	shalt  }
0x82: {  	_ =	shalt  }
0x83: {  	_ =	shalt  }
0x84: {  	_ =	shalt  }
0x85: {  	_ =	shalt  }
0x86: {  	_ =	shalt  }
0x87: {  	_ =	shalt  }
.Lfunc_end0:
.L_simem_size_0:
called_computation_lowered:
.L_overlay_start_0:
0x88: {  	s2 =	sld [smem:$0x3FD9]  }
0x89: {  	s3 =	sld [smem:$0x3FFE];
	_ =	sdelay $0x1  }
0x8a: {  	s1 =	srdreg.scid  }
0x8b: {  	s0 =	sand.u32 $0x1, s1  }
0x8c: {  	s16 =	sshll.u32 s0, $0xA;
	s2 =	sadd.s32 s3, s2  }
0x8d: {  	s2 =	sadd.s32 s2, s16  }
0x8e: {  	[smem:$0x3FC0] =	sst s2  }
0x8f: {  	_ = 	snop  }
0x90: {  	(tm) =	ssettm $0x1  }
0x91: {  	s17 =	sld [smem:$0x3FFB];
	_ =	sdelay $0x3  }
0x92: {  	_ =	strace s17  }
0x93: {  	s2 =	sld [smem:$0x3FFC];
	_ =	sdelay $0x3  }
0x94: {  	_ =	strace s2  }
0x95: {  	s2 =	sld [smem:$0x3FFD];
	_ =	sdelay $0x3  }
0x96: {  	_ =	strace s2  }
0x97: {  	_ =	strace $0x8FFFFFFF  }
0x98: {  	s18 =	sld [smem:$0x3FDB];
	_ =	sdelay $0x1  }
0x99: {  	s19 =	simm.s32 $_scs_section_size  }
0x9a: {  	s4 =	simm.s32 $_size__tile_overlayer_lowered;
	s5 =	simm.s32 $_tile_overlayer_lowered  }
0x9b: {  	s22 =	simm.s32 $0x1BFF;
	s21 =	sshll.u32 s5, $0x1;
	s2 =	sadd.s32 s19, s18  }
0x9c: {  	s6 =	simm.s32 $0x0;
	s20 =	sshll.u32 s4, $0x1;
	s4 =	sadd.s32 s21, s2  }
0x9d: {  	[timem:s6], [sflag:s22] =	dma.local [hbm:s4], s20  }
0x9e: {  	_ =	swait.ge [sflag:s22], s20  }
0x9f: {  	s3 =	ssub.s32 $0x0, s20;
	[sflag:s22] =	ssyncset.done $0x0  }
0xa0: {  	[sflag:s22] =	ssyncadd.s32 s3;
	_ =	sdelay $0x1  }
0xa1: {  	s23 =	simm.s32 $0x1B8B  }
0xa2: {  	_ =	swait.ge [sflag:s23], $0x1  }
0xa3: {  	[sflag:s23] =	ssyncset.done $0x0  }
0xa4: {  	s25 =	simm.s32 $0x1B8E;
	s24 =	sld [smem:$0x3FFE];
	[sflag:s23] =	ssyncadd.s32 $0xFFFFFFFF  }
0xa5: {  	s26 =	simm.s32 $execute0_lowered;
	[smem:$0x3FD2] =	sst s25  }
0xa6: {  	s4 =	sshll.u32 s26, $0x1;
	_ =	strace $0x80000046;
	[dreg:$0x1] =	wrdreg $0xFFFFFFFF  }
0xa7: {  	s28 =	simm.s32 $_size_execute0_lowered;
	s2 =	sadd.s32 s2, s4;
	[dreg:$0x0] =	wrdreg $0x0  }
0xa8: {  	s4 =	sshll.u32 s28, $0x1;
	[dreg:$0x2] =	wrdreg s2  }
0xa9: {  	[dreg:$0x3] =	wrdreg s4  }
0xaa: {  	[dreg:$0x4] =	wrdreg $0xC0  }
0xab: {  	_ =	task [dreg:s6], $0x5FFFF  }
0xac: {  	[dreg:$0x1] =	wrdreg $0xFFFFFFFF  }
0xad: {  	[dreg:$0x0] =	wrdreg $0x60  }
0xae: {  	[dreg:$0x2] =	wrdreg s24  }
0xaf: {  	[dreg:$0x3] =	wrdreg $0x9  }
0xb0: {  	_ =	task.clear_ibuf [dreg:s6], $0x4FFFF;
	_ =	strace $0x90000046  }
0xb1: {  	s29 =	simm.s32 $0x9;
	_ =	strace $0x80000048  }
0xb2: {  	_ =	swait.ge [sflag:s29], $0x1  }
0xb3: {  	[sflag:s29] =	ssyncadd.s32 $0xFFFFFFFF  }
0xb4: {  	_ =	strace $0x90000048  }
0xb5: {  	_ =	sfence  }
0xb6: {  	s30 =	sld [smem:$0x0];
	_ =	sdelay $0x2  }
0xb7: {  	s31 =	sshll.u32 s1, $0xD;
	s1 =	sshrl.u32 s1, $0x2  }
0xb8: {  	s3 =	sand.u32 $0x4000, s31;
	s1 =	sadd.s32 s1, s30  }
0xb9: {  	s0 =	sor.u32 s3, s0;
	s1 =	sshll.u32 s1, $0x11  }
0xba: {  	s0 =	sor.u32 s1, s0  }
0xbb: {  	s0 =	sadd.s32 $0x8F2B, s0  }
0xbc: {  	[sflag:s0] =	ssyncadd.remote.s32 $0x1  }
0xbd: {  	_ =	sfence.sel $0xFFFF  }
0xbe: {  	[dreg:$0x0] =	wrdreg $0xFFFFFFFF;
	(pc) =	sbr.abs _section_cstart, $3  }
0xbf: {  	[dreg:$0x1] =	wrdreg $0xFFFFFFFF  }
0xc0: {  	_ =	task.clear_ibuf [dreg:s6], $0x2FFFF;
	_ =	strace $0x9FFFFFFF  }
0xc1: {  	(tm) =	ssettm $0x7FFFFFFF  }
tec
execute0_lowered:
.L_overlay_start_1:
0x0: {  	(tag) =	ssettag $0x1  }
0x1: {  	s1 =	srdreg.scid  }
0x2: {  	s0 =	stileid.u32;
	s6 =	rddreg [dreg:$0x0];
	s2 =	simm.s32 $0x0  }
0x3: {  	s15 =	simm.s32 $0x3400;
	s16 =	simm.s32 $0x9C00;
	s17 =	simm.s32 $0x10400  }
0x4: {  	s18 =	simm.s32 $0x16C00;
	s19 =	simm.s32 $0x1;
	s20 =	simm.s32 $0x40  }
0x5: {  	s21 =	simm.s32 $0x80;
	s22 =	simm.s32 $0x2;
	s23 =	simm.s32 $0x1860  }
0x6: {  	s24 =	simm.s32 $0x3260;
	s25 =	simm.s32 $0x0;
	s9 =	sand.u32 $0x1, s1  }
0x7: {  	s3 =	sshll.u32 s0, $0x1;
	[smem:$0x7FF] =	sst s2;
	s11 =	sadd.s32 $0x24AE00, s6  }
0x8: {  	s12 =	sadd.s32 $0x24AE08, s6;
	s13 =	smul.u32 $0x34000, s0;
	s4 =	sor.u32 s9, s3  }
0x9: {  	_ =	strace $0x80000047;
	s7 =	ssub.s32 $0x2, s9;
	s5 =	smul.u32 $0x1A00, s4  }
0xa: {  	s3 =	sadd.s32 $0x187800, s6;
	s8 =	sshrl.u32 s7, $0x1;
	s10 =	smul.u32 $0x1A000, s4  }
0xb: {  	s14 =	smul.u32 $0x1A000, s9;
	s7 =	ssub.s32 s7, s8;
	s5 =	sshrl.u32 s5, $0x3  }
0xc: {  	s31 =	sadd.s32 $0x16C00, s10;
	s10 =	sadd.s32 $0x18600, s10;
	s5 =	sadd.s32 s5, s6  }
0xd: {  	s6 =	smax.u32 s7, $0x1;
	s7 =	sadd.s32 s11, s31;
	s8 =	sadd.s32 s31, s12  }
0xe: {  	s9 =	sadd.s32 s11, s10;
	s10 =	sadd.s32 s10, s12;
	s11 =	sadd.s32 s13, s11  }
0xf: {  	s12 =	simm.s32 $0x3;
	s13 =	simm.s32 $0x1A00;
	s4 =	sadd.s32 $0x7600, s5  }
0x10: {  	s5 =	sadd.s32 $0xE00, s5;
	s11 =	sadd.s32 s14, s11;
	s14 =	simm.s32 $0x1A0  }
.LBB2_1:
0x11: {  	[tilespmem:s2], [sflag:$0x3] =	stream.linear.gather [hbm4b:s4+s2], $0x1A00, $0x38;
	[tilespmem:$0x1D400] =	vst v63  }
0x12: {  	_ =	swait.ge [sflag:s12], $0x1A00  }
0x13: {  	[sflag:s12] =	ssyncset.done $0x0  }
0x14: {  	[sflag:s12] =	ssyncadd.s32 $0xFFFFE600  }
0x15: {  	[tilespmem:s13], [sflag:$0x3] =	stream.linear.gather [hbm4b:s5+s2], $0x1A00, $0x38;
	[tilespmem:$0x1D400] =	vst v63  }
0x16: {  	_ =	swait.ge [sflag:s12], $0x1A00  }
0x17: {  	[sflag:s12] =	ssyncset.done $0x0  }
0x18: {  	[sflag:s12] =	ssyncadd.s32 $0xFFFFE600  }
0x19: {  	[tilespmem:s15], [sflag:$0x1] =	stream.indirect.gather [hbm4b:s3+s14], $0x40, s2, s14, $0xb8;
	[tilespmem:$0x1D400] =	vst v63  }
0x1a: {  	_ = 	snop  }
0x1b: {  	[tilespmem:s16], [sflag:$0x1] =	stream.indirect.gather [hbm4b:s3+s14], $0x40, s13, s14, $0xb8;
	[tilespmem:$0x1D400] =	vst v63  }
0x1c: {  	s26 =	simm.s32 $0x1A0  }
0x1d: {  	[tilespmem:s17], [sflag:$0x2] =	stream.indirect.gather [hbm4b:s3+s14], $0x40, s26, s14, $0xb8;
	[tilespmem:$0x1D400] =	vst v63  }
0x1e: {  	s1 =	simm.s32 $0x1BA0  }
0x1f: {  	[tilespmem:s18], [sflag:$0x2] =	stream.indirect.gather [hbm4b:s3+s14], $0x40, s1, s14, $0xb8;
	[tilespmem:$0x1D400] =	vst v63  }
0x20: {  	_ =	swait.ge [sflag:s19], $0x6800  }
0x21: {  	[sflag:s19] =	ssyncset.done $0x0  }
0x22: {  	[sflag:s19] =	ssyncadd.s32 $0xFFFF9800  }
0x23: {  	_ =	swait.ge [sflag:s19], $0x6800  }
0x24: {  	[sflag:s19] =	ssyncset.done $0x0  }
0x25: {  	[sflag:s19] =	ssyncadd.s32 $0xFFFF9800  }
0x26: {  	[hbm4b:s11+s20] =	stream.strided.scatter [tilespmem:s15], [sflag:$0x3], $0x6800, s21, s20, $0x38;
	[tilespmem:$0x1D400] =	vst v63  }
0x27: {  	_ =	swait.ge [sflag:s12], $0x6800  }
0x28: {  	[sflag:s12] =	ssyncset.done $0x0  }
0x29: {  	s29 =	sadd.s32 $0x8, s11;
	[sflag:s12] =	ssyncadd.s32 $0xFFFF9800  }
0x2a: {  	[hbm4b:s29+s20] =	stream.strided.scatter [tilespmem:s16], [sflag:$0x3], $0x6800, s21, s20, $0x38;
	[tilespmem:$0x1D400] =	vst v63  }
0x2b: {  	_ =	swait.ge [sflag:s12], $0x6800  }
0x2c: {  	[sflag:s12] =	ssyncset.done $0x0  }
0x2d: {  	s30 =	simm.s32 $0x340;
	[sflag:s12] =	ssyncadd.s32 $0xFFFF9800  }
0x2e: {  	[tilespmem:s15], [sflag:$0x1] =	stream.indirect.gather [hbm4b:s3+s14], $0x40, s30, s14, $0xb8;
	[tilespmem:$0x1D400] =	vst v63  }
0x2f: {  	s1 =	simm.s32 $0x1D40  }
0x30: {  	[tilespmem:s16], [sflag:$0x1] =	stream.indirect.gather [hbm4b:s3+s14], $0x40, s1, s14, $0xb8;
	[tilespmem:$0x1D400] =	vst v63  }
0x31: {  	_ =	swait.ge [sflag:s22], $0x6800  }
0x32: {  	[sflag:s22] =	ssyncset.done $0x0  }
0x33: {  	[sflag:s22] =	ssyncadd.s32 $0xFFFF9800  }
0x34: {  	_ =	swait.ge [sflag:s22], $0x6800  }
0x35: {  	[sflag:s22] =	ssyncset.done $0x0  }
0x36: {  	s29 =	sadd.s32 $0x1A00, s11;
	[sflag:s22] =	ssyncadd.s32 $0xFFFF9800  }
0x37: {  	[hbm4b:s29+s20] =	stream.strided.scatter [tilespmem:s17], [sflag:$0x3], $0x6800, s21, s20, $0x38;
	[tilespmem:$0x1D400] =	vst v63  }
0x38: {  	_ =	swait.ge [sflag:s12], $0x6800  }
0x39: {  	[sflag:s12] =	ssyncset.done $0x0  }
0x3a: {  	s30 =	sadd.s32 $0x1A08, s11;
	[sflag:s12] =	ssyncadd.s32 $0xFFFF9800  }
0x3b: {  	[hbm4b:s30+s20] =	stream.strided.scatter [tilespmem:s18], [sflag:$0x3], $0x6800, s21, s20, $0x38;
	[tilespmem:$0x1D400] =	vst v63  }
0x3c: {  	s31 =	simm.s32 $0x1A00;
	_ =	swait.ge [sflag:s12], $0x6800  }
0x3d: {  	s28 =	simm.s32 $0x340;
	s26 =	sadd.s32 $0x3400, s11;
	[sflag:s12] =	ssyncset.done $0x0  }
.LBB2_2:
0x3e: {  	s1 =	sadd.s32 $0x1A0, s28  }
0x3f: {  	[sflag:s12] =	ssyncadd.s32 $0xFFFF9800;
	s30 =	smov.u32 s31;
	s29 =	sadd.s32 $0xD00, s31  }
0x40: {  	[tilespmem:s17], [sflag:$0x2] =	stream.indirect.gather [hbm4b:s3+s14], $0x40, s1, s14, $0xb8;
	[tilespmem:$0x1D400] =	vst v63  }
0x41: {  	p0 =	sne.s32 s31, $0x4E00;
	s1 =	sadd.s32 $0x1BA0, s28  }
0x42: {  	[tilespmem:s18], [sflag:$0x2] =	stream.indirect.gather [hbm4b:s3+s14], $0x40, s1, s14, $0xb8;
	[tilespmem:$0x1D400] =	vst v63  }
0x43: {  	_ =	swait.ge [sflag:s19], $0x6800  }
0x44: {  	[sflag:s19] =	ssyncset.done $0x0  }
0x45: {  	[sflag:s19] =	ssyncadd.s32 $0xFFFF9800  }
0x46: {  	_ =	swait.ge [sflag:s19], $0x6800  }
0x47: {  	[sflag:s19] =	ssyncset.done $0x0  }
0x48: {  	[sflag:s19] =	ssyncadd.s32 $0xFFFF9800  }
0x49: {  	[hbm4b:s26+s20] =	stream.strided.scatter [tilespmem:s15], [sflag:$0x3], $0x6800, s21, s20, $0x38;
	[tilespmem:$0x1D400] =	vst v63  }
0x4a: {  	_ =	swait.ge [sflag:s12], $0x6800  }
0x4b: {  	[sflag:s12] =	ssyncset.done $0x0  }
0x4c: {  	s1 =	sadd.s32 $0x8, s26;
	[sflag:s12] =	ssyncadd.s32 $0xFFFF9800  }
0x4d: {  	[hbm4b:s1+s20] =	stream.strided.scatter [tilespmem:s16], [sflag:$0x3], $0x6800, s21, s20, $0x38;
	[tilespmem:$0x1D400] =	vst v63  }
0x4e: {  	_ =	swait.ge [sflag:s12], $0x6800  }
0x4f: {  	[sflag:s12] =	ssyncset.done $0x0  }
0x50: {  	s1 =	sadd.s32 $0x340, s28;
	[sflag:s12] =	ssyncadd.s32 $0xFFFF9800  }
0x51: {  	[tilespmem:s15], [sflag:$0x1] =	stream.indirect.gather [hbm4b:s3+s14], $0x40, s1, s14, $0xb8;
	[tilespmem:$0x1D400] =	vst v63  }
0x52: {  	s1 =	sadd.s32 $0x1D40, s28  }
0x53: {  	[tilespmem:s16], [sflag:$0x1] =	stream.indirect.gather [hbm4b:s3+s14], $0x40, s1, s14, $0xb8;
	[tilespmem:$0x1D400] =	vst v63  }
0x54: {  	_ =	swait.ge [sflag:s22], $0x6800  }
0x55: {  	[sflag:s22] =	ssyncset.done $0x0  }
0x56: {  	[sflag:s22] =	ssyncadd.s32 $0xFFFF9800  }
0x57: {  	_ =	swait.ge [sflag:s22], $0x6800  }
0x58: {  	[sflag:s22] =	ssyncset.done $0x0  }
0x59: {  	s1 =	sadd.s32 $0x1A00, s26;
	[sflag:s22] =	ssyncadd.s32 $0xFFFF9800  }
0x5a: {  	[hbm4b:s1+s20] =	stream.strided.scatter [tilespmem:s17], [sflag:$0x3], $0x6800, s21, s20, $0x38;
	[tilespmem:$0x1D400] =	vst v63  }
0x5b: {  	_ =	swait.ge [sflag:s12], $0x6800  }
.Ltmp0:
0x5c: {  	[sflag:s12] =	ssyncset.done $0x0;
	(pc) =	sbr.rel @p0 .LBB2_2-.Ltmp0, $4  }
0x5d: {  	s1 =	sadd.s32 $0x1A08, s26;
	[sflag:s12] =	ssyncadd.s32 $0xFFFF9800  }
0x5e: {  	[hbm4b:s1+s20] =	stream.strided.scatter [tilespmem:s18], [sflag:$0x3], $0x6800, s21, s20, $0x38;
	[tilespmem:$0x1D400] =	vst v63  }
0x5f: {  	s31 =	smov.u32 s29;
	_ =	swait.ge [sflag:s12], $0x6800  }
0x60: {  	s28 =	sshra.s32 s30, $0x2;
	s26 =	sadd.s32 $0x3400, s26;
	[sflag:s12] =	ssyncset.done $0x0  }
0x61: {  	s1 =	sadd.s32 $0x1A0, s28;
	[sflag:s12] =	ssyncadd.s32 $0xFFFF9800  }
0x62: {  	[tilespmem:s17], [sflag:$0x2] =	stream.indirect.gather [hbm4b:s3+s14], $0x40, s1, s14, $0xb8;
	[tilespmem:$0x1D400] =	vst v63  }
0x63: {  	s29 =	sadd.s32 $0x1BA0, s28  }
0x64: {  	[tilespmem:s18], [sflag:$0x2] =	stream.indirect.gather [hbm4b:s3+s14], $0x40, s29, s14, $0xb8;
	[tilespmem:$0x1D400] =	vst v63  }
0x65: {  	_ =	swait.ge [sflag:s19], $0x6800  }
0x66: {  	[sflag:s19] =	ssyncset.done $0x0  }
0x67: {  	[sflag:s19] =	ssyncadd.s32 $0xFFFF9800  }
0x68: {  	_ =	swait.ge [sflag:s19], $0x6800  }
0x69: {  	[sflag:s19] =	ssyncset.done $0x0  }
0x6a: {  	[sflag:s19] =	ssyncadd.s32 $0xFFFF9800  }
0x6b: {  	[hbm4b:s26+s20] =	stream.strided.scatter [tilespmem:s15], [sflag:$0x3], $0x6800, s21, s20, $0x38;
	[tilespmem:$0x1D400] =	vst v63  }
0x6c: {  	_ =	swait.ge [sflag:s12], $0x6800  }
0x6d: {  	[sflag:s12] =	ssyncset.done $0x0  }
0x6e: {  	s30 =	sadd.s32 $0x8, s26;
	[sflag:s12] =	ssyncadd.s32 $0xFFFF9800  }
0x6f: {  	[hbm4b:s30+s20] =	stream.strided.scatter [tilespmem:s16], [sflag:$0x3], $0x6800, s21, s20, $0x38;
	[tilespmem:$0x1D400] =	vst v63  }
0x70: {  	_ =	swait.ge [sflag:s12], $0x6800  }
0x71: {  	[sflag:s12] =	ssyncset.done $0x0  }
0x72: {  	s31 =	sadd.s32 $0x340, s28;
	[sflag:s12] =	ssyncadd.s32 $0xFFFF9800  }
0x73: {  	[tilespmem:s15], [sflag:$0x1] =	stream.indirect.gather [hbm4b:s3+s14], $0x40, s31, s14, $0xb8;
	[tilespmem:$0x1D400] =	vst v63  }
0x74: {  	s29 =	sadd.s32 $0x1D40, s28  }
0x75: {  	[tilespmem:s16], [sflag:$0x1] =	stream.indirect.gather [hbm4b:s3+s14], $0x40, s29, s14, $0xb8;
	[tilespmem:$0x1D400] =	vst v63  }
0x76: {  	_ =	swait.ge [sflag:s22], $0x6800  }
0x77: {  	[sflag:s22] =	ssyncset.done $0x0  }
0x78: {  	[sflag:s22] =	ssyncadd.s32 $0xFFFF9800  }
0x79: {  	_ =	swait.ge [sflag:s22], $0x6800  }
0x7a: {  	[sflag:s22] =	ssyncset.done $0x0  }
0x7b: {  	s30 =	sadd.s32 $0x1A00, s26;
	[sflag:s22] =	ssyncadd.s32 $0xFFFF9800  }
0x7c: {  	[hbm4b:s30+s20] =	stream.strided.scatter [tilespmem:s17], [sflag:$0x3], $0x6800, s21, s20, $0x38;
	[tilespmem:$0x1D400] =	vst v63  }
0x7d: {  	_ =	swait.ge [sflag:s12], $0x6800  }
0x7e: {  	[sflag:s12] =	ssyncset.done $0x0  }
0x7f: {  	s31 =	sadd.s32 $0x1A08, s26;
	[sflag:s12] =	ssyncadd.s32 $0xFFFF9800  }
0x80: {  	[hbm4b:s31+s20] =	stream.strided.scatter [tilespmem:s18], [sflag:$0x3], $0x6800, s21, s20, $0x38;
	[tilespmem:$0x1D400] =	vst v63  }
0x81: {  	_ =	swait.ge [sflag:s12], $0x6800  }
0x82: {  	[sflag:s12] =	ssyncset.done $0x0  }
0x83: {  	[sflag:s12] =	ssyncadd.s32 $0xFFFF9800  }
0x84: {  	[tilespmem:s17], [sflag:$0x2] =	stream.indirect.gather [hbm4b:s3+s14], $0x40, s23, s14, $0xb8;
	[tilespmem:$0x1D400] =	vst v63  }
0x85: {  	_ = 	snop  }
0x86: {  	[tilespmem:s18], [sflag:$0x2] =	stream.indirect.gather [hbm4b:s3+s14], $0x40, s24, s14, $0xb8;
	[tilespmem:$0x1D400] =	vst v63  }
0x87: {  	_ =	swait.ge [sflag:s19], $0x6800  }
0x88: {  	[sflag:s19] =	ssyncset.done $0x0  }
0x89: {  	[sflag:s19] =	ssyncadd.s32 $0xFFFF9800  }
0x8a: {  	_ =	swait.ge [sflag:s19], $0x6800  }
0x8b: {  	[sflag:s19] =	ssyncset.done $0x0  }
0x8c: {  	[sflag:s19] =	ssyncadd.s32 $0xFFFF9800  }
0x8d: {  	[hbm4b:s7+s20] =	stream.strided.scatter [tilespmem:s15], [sflag:$0x3], $0x6800, s21, s20, $0x38;
	[tilespmem:$0x1D400] =	vst v63  }
0x8e: {  	_ =	swait.ge [sflag:s12], $0x6800  }
0x8f: {  	[sflag:s12] =	ssyncset.done $0x0  }
0x90: {  	[sflag:s12] =	ssyncadd.s32 $0xFFFF9800  }
0x91: {  	[hbm4b:s8+s20] =	stream.strided.scatter [tilespmem:s16], [sflag:$0x3], $0x6800, s21, s20, $0x38;
	[tilespmem:$0x1D400] =	vst v63  }
0x92: {  	_ =	swait.ge [sflag:s12], $0x6800  }
0x93: {  	[sflag:s12] =	ssyncset.done $0x0  }
0x94: {  	[sflag:s12] =	ssyncadd.s32 $0xFFFF9800  }
0x95: {  	_ =	swait.ge [sflag:s22], $0x6800  }
0x96: {  	[sflag:s22] =	ssyncset.done $0x0  }
0x97: {  	[sflag:s22] =	ssyncadd.s32 $0xFFFF9800  }
0x98: {  	_ =	swait.ge [sflag:s22], $0x6800  }
0x99: {  	[sflag:s22] =	ssyncset.done $0x0  }
0x9a: {  	[sflag:s22] =	ssyncadd.s32 $0xFFFF9800  }
0x9b: {  	[hbm4b:s9+s20] =	stream.strided.scatter [tilespmem:s17], [sflag:$0x3], $0x6800, s21, s20, $0x38;
	[tilespmem:$0x1D400] =	vst v63  }
0x9c: {  	s25 =	sadd.s32 $0x1, s25;
	_ =	swait.ge [sflag:s12], $0x6800  }
0x9d: {  	p0 =	sne.s32 s25, s6;
	[sflag:s12] =	ssyncset.done $0x0  }
.Ltmp1:
0x9e: {  	[sflag:s12] =	ssyncadd.s32 $0xFFFF9800;
	(pc) =	sbr.rel @p0 .LBB2_1-.Ltmp1, $4  }
0x9f: {  	[hbm4b:s10+s20] =	stream.strided.scatter [tilespmem:s18], [sflag:$0x3], $0x6800, s21, s20, $0x38;
	[tilespmem:$0x1D400] =	vst v63  }
0xa0: {  	_ =	swait.ge [sflag:s12], $0x6800  }
0xa1: {  	[sflag:s12] =	ssyncset.done $0x0  }
0xa2: {  	[sflag:s12] =	ssyncadd.s32 $0xFFFF9800  }
0xa3: {  	_ =	sfence.sel $0x180000  }
0xa4: {  	[bflag:$0x0] =	sbarrier.arrive $0xFFFF  }
0xa5: {  	_ =	strace $0x90000047  }
0xa6: {  	[bflag:$0x2] =	sbarrier.arrive $0xFFFF  }
0xa7: {  	p0 =	sne.s32 s0, $0x0;
	s0 =	rddreg [dreg:$0x1]  }
0xa8: {  	s0 =	sadd.s32 @!p0 $0x100000, s0  }
0xa9: {  	[sflag:s0] =	ssyncadd.tile.s32 @!p0 $0x1;
	_ =	shalt  }
.Lfunc_end2:
_tile_overlayer_lowered:
.L_overlay_start_2:
0xaa: {  	(tag) =	ssettag $0x2  }
0xab: {  	s0 =	rddreg [dreg:$0x0];
	s2 =	stileid.u32  }
0xac: {  	s1 =	rddreg [dreg:$0x1];
	p0 =	sne.s32 s2, $0x0  }
0xad: {  	s3 =	rddreg [dreg:$0x2];
	[bflag:$0x3] =	sbarrier.arrive $0xFFFF;
	s2 =	simm.s32 @!p0 $0x1C03  }
0xae: {  	[timem:s3], [sflag:s2] =	dma.local @!p0 [hbm:s0], s1  }
0xaf: {  	s0 =	simm.s32 @!p0 $0x3  }
0xb0: {  	_ =	swait.ge @!p0 [sflag:s0], s1  }
0xb1: {  	s1 =	ssub.s32 @!p0 $0x0, s1;
	[sflag:s0] =	ssyncset.done @!p0 $0x0  }
0xb2: {  	[sflag:s0] =	ssyncadd.s32 @!p0 s1  }
0xb3: {  	[bflag:$0x3] =	sbarrier.arrive $0xFFFF  }
0xb4: {  	_ =	shalt  }

</sc_bundles>
